<compile_context>
chip_gen: v7x
topology: tpu7x:2x2x1
jax: 0.10.2.dev20260603
libtpu: 0.0.44.dev20260713+nightly
codegen_flags: <defaults>
</compile_context>

<pallas_src>
import functools

import jax
import jax.numpy as jnp
from jax import lax
from jax.experimental import pallas as pl
from jax.experimental.pallas import tpu as pltpu
from jax.experimental.pallas import tpu_sc as plsc

_F = 128
_NC = 2
_NS = 16
_NW = _NC * _NS
_CHUNK = 64


@functools.lru_cache(maxsize=None)
def _make_kernel(P: int):
    assert P % _NW == 0
    ppw = P // _NW
    assert ppw % _CHUNK == 0
    nch = ppw // _CHUNK
    rows = 2 * _CHUNK

    mesh = plsc.VectorSubcoreMesh(
        core_axis_name="c", subcore_axis_name="s",
        num_cores=_NC, num_subcores=_NS)

    nbuf = 4
    assert nch % nbuf == 0

    @functools.partial(
        pl.kernel,
        out_type=jax.ShapeDtypeStruct((2 * P, _F), jnp.float32),
        mesh=mesh,
        scratch_types=[
            pltpu.VMEM((2 * ppw,), jnp.int32),
            pltpu.VMEM_SHARED((1024, _F), jnp.float32),
            [pltpu.VMEM((rows, _F), jnp.float32) for _ in range(nbuf)],
            [pltpu.SemaphoreType.DMA for _ in range(nbuf)],
            [pltpu.SemaphoreType.DMA for _ in range(nbuf)],
        ],
        compiler_params=pltpu.CompilerParams(needs_layout_passes=False),
    )
    def emb(idx_hbm, tab_hbm, out_hbm, idx, stab, bufs, gsems, osems):
        wid = lax.axis_index("s") * _NC + lax.axis_index("c")
        base = wid * ppw
        pltpu.sync_copy(idx_hbm.at[pl.ds(2 * base, 2 * ppw)], idx)

        @pl.when(lax.axis_index("s") == 0)
        def _():
            pltpu.sync_copy(tab_hbm, stab)

        plsc.subcore_barrier()

        def gather(ci, k):
            r0 = ci * rows
            pltpu.async_copy(
                stab.at[idx.at[pl.ds(r0, rows)]], bufs[k], gsems[k])

        def gather_wait(k):
            pltpu.make_async_copy(
                stab.at[idx.at[pl.ds(0, rows)]], bufs[k], gsems[k]).wait()

        def writeback(ci, k):
            r0 = 2 * base + ci * rows
            pltpu.async_copy(bufs[k], out_hbm.at[pl.ds(r0, rows)], osems[k])

        def writeback_wait(k):
            pltpu.make_async_copy(
                bufs[k], out_hbm.at[pl.ds(2 * base, rows)], osems[k]).wait()

        def stage(i, c0):
            ci = i * nbuf
            for k in range(nbuf):
                @pl.when(i > 0)
                def _(k=k):
                    writeback_wait(k)
                gather(ci + k, k)
            for k in range(nbuf):
                gather_wait(k)
                writeback(ci + k, k)
            return c0

        lax.fori_loop(0, nch // nbuf, stage, 0)
        for k in range(nbuf):
            writeback_wait(k)

    return emb


def kernel(x, col_embed, row_embed):
    b, n, _ = x.shape
    p = b * n
    tab = jnp.concatenate([col_embed, row_embed], axis=0)
    fused_idx = x.reshape(2 * p) + (jnp.arange(2 * p, dtype=jnp.int32) & 1) * 512
    out = _make_kernel(p)(fused_idx, tab)
    return out.reshape(b, n, 2, _F).swapaxes(2, 3)

# --- scband reference (transcript-rebuilt; emitter-appended) ---
"""Pipeline reference for scband-position-embedding-learned-27427661152547 (READ-ONLY COPY).

The authoritative reference and input builder live on the scoring server;
editing this copy changes nothing except your own understanding.
"""

import jax, jax.numpy as jnp
import numpy as np

W = 512
H = 512
NUM_POS_FEATS = 128
B = 16
N = 8192


def setup_inputs(seed: int = 0) -> dict:
    key = jax.random.key(seed)
    k1, k2, k3 = jax.random.split(key, 3)
    # integer pixel coordinates in [0, W) x [0, H)
    x = jax.random.randint(k1, (B, N, 2), 0, W, dtype=jnp.int32)
    # learned tables, initialized uniform [0,1) like nn.init.uniform_
    col_embed = jax.random.uniform(k2, (W, NUM_POS_FEATS), dtype=jnp.float32)
    row_embed = jax.random.uniform(k3, (H, NUM_POS_FEATS), dtype=jnp.float32)
    return {"x": x, "col_embed": col_embed, "row_embed": row_embed}


def reference(x, col_embed, row_embed):
    # x_dim == 3 integer branch of PositionEmbeddingLearned.forward
    x_emb = jnp.take(col_embed, x[..., 0], axis=0)  # [B, N, F]
    y_emb = jnp.take(row_embed, x[..., 1], axis=0)  # [B, N, F]
    pos = jnp.stack([x_emb, y_emb], axis=-1)        # [B, N, F, 2]
    return pos

if __name__ == "__main__":
    import jax
    _d = setup_inputs()
    print(jax.jit(kernel)(*tuple(_d.values())))

</pallas_src>

<mosaic_0001>
#map = affine_map<(d0, d1) -> (0)>
#map1 = affine_map<(d0, d1) -> (0, 0)>
module attributes {stable_mosaic.version = 14 : i64} {
  func.func @emb(%arg0: i32, %arg1: i32, %arg2: memref<262144xi32, #tpu.memory_space<hbm>>, %arg3: memref<1024x128xf32, #tpu.memory_space<hbm>>, %arg4: memref<262144x128xf32, #tpu.memory_space<hbm>>, %arg5: memref<8192xi32, #tpu.memory_space<vmem>>, %arg6: memref<1024x128xf32, #tpu.memory_space<vmem_shared>>, %arg7: memref<128x128xf32, #tpu.memory_space<vmem>>, %arg8: memref<128x128xf32, #tpu.memory_space<vmem>>, %arg9: memref<128x128xf32, #tpu.memory_space<vmem>>, %arg10: memref<128x128xf32, #tpu.memory_space<vmem>>, %arg11: memref<!tpu.dma_semaphore, #tpu.memory_space<semaphore_mem>>, %arg12: memref<!tpu.dma_semaphore, #tpu.memory_space<semaphore_mem>>, %arg13: memref<!tpu.dma_semaphore, #tpu.memory_space<semaphore_mem>>, %arg14: memref<!tpu.dma_semaphore, #tpu.memory_space<semaphore_mem>>, %arg15: memref<!tpu.dma_semaphore, #tpu.memory_space<semaphore_mem>>, %arg16: memref<!tpu.dma_semaphore, #tpu.memory_space<semaphore_mem>>, %arg17: memref<!tpu.dma_semaphore, #tpu.memory_space<semaphore_mem>>, %arg18: memref<!tpu.dma_semaphore, #tpu.memory_space<semaphore_mem>>) attributes {dimension_semantics = [#tpu.dimension_semantics<core_parallel>, #tpu.dimension_semantics<subcore_parallel>], iteration_bounds = array<i64: 2, 16>, scalar_prefetch = 0 : i64, scratch_operands = 14 : i64, tpu.core_type = #tpu.core_type<sc_vector_subcore>, window_params = [{transform_indices = #map}, {transform_indices = #map1}, {transform_indices = #map1}]} {
    %mul3A = arith.constant 2 : i32
    %mul3A_0 = arith.muli %arg1, %mul3A : i32
    %add3A = arith.addi %mul3A_0, %arg0 : i32
    %mul3A_1 = arith.constant 4096 : i32
    %mul3A_2 = arith.muli %add3A, %mul3A_1 : i32
    %mul3A_3 = arith.constant 2 : i32
    %mul3A_4 = arith.muli %mul3A_3, %mul3A_2 : i32
    "tpu.region"() ({
      %run_scoped3A = tpu.sem_alloc : memref<!tpu.dma_semaphore, #tpu.memory_space<semaphore_mem>>
      %dma_start3A = tpu.memref_slice %arg2[%mul3A_4] : memref<262144xi32, #tpu.memory_space<hbm>> -> memref<8192xi32, #tpu.memory_space<hbm>>
      %dma_start3A_35 = tpu.memref_slice %arg2[%mul3A_4] : memref<262144xi32, #tpu.memory_space<hbm>> -> memref<8192xi32, #tpu.memory_space<hbm>>
      tpu.enqueue_dma source(%dma_start3A_35 : memref<8192xi32, #tpu.memory_space<hbm>>) target(%arg5 : memref<8192xi32, #tpu.memory_space<vmem>>) target_semaphore(%run_scoped3A : memref<!tpu.dma_semaphore, #tpu.memory_space<semaphore_mem>>)
      %dma_wait3A_36 = tpu.memref_slice %arg2[%mul3A_4] : memref<262144xi32, #tpu.memory_space<hbm>> -> memref<8192xi32, #tpu.memory_space<hbm>>
      %dma_wait3A_37 = tpu.memref_slice %arg2[%mul3A_4] : memref<262144xi32, #tpu.memory_space<hbm>> -> memref<8192xi32, #tpu.memory_space<hbm>>
      tpu.wait_dma2 semaphore(%run_scoped3A : memref<!tpu.dma_semaphore, #tpu.memory_space<semaphore_mem>>) src(%dma_wait3A_37 : memref<8192xi32, #tpu.memory_space<hbm>>) dst(%arg5 : memref<8192xi32, #tpu.memory_space<vmem>>)
      tpu.yield
    }) : () -> ()
    %eq3A = arith.constant 0 : i32
    %eq3A_5 = arith.cmpi eq, %arg1, %eq3A : i32
    %convert_element_type3A = arith.extui %eq3A_5 : i1 to i32
    %cond3A = arith.constant 0 : i32
    %cond3A_6 = arith.cmpi ne, %convert_element_type3A, %cond3A : i32
    scf.if %cond3A_6 {
      "tpu.region"() ({
        %run_scoped3A = tpu.sem_alloc : memref<!tpu.dma_semaphore, #tpu.memory_space<semaphore_mem>>
        tpu.enqueue_dma source(%arg3 : memref<1024x128xf32, #tpu.memory_space<hbm>>) target(%arg6 : memref<1024x128xf32, #tpu.memory_space<vmem_shared>>) target_semaphore(%run_scoped3A : memref<!tpu.dma_semaphore, #tpu.memory_space<semaphore_mem>>)
        tpu.wait_dma2 semaphore(%run_scoped3A : memref<!tpu.dma_semaphore, #tpu.memory_space<semaphore_mem>>) src(%arg3 : memref<1024x128xf32, #tpu.memory_space<hbm>>) dst(%arg6 : memref<1024x128xf32, #tpu.memory_space<vmem_shared>>)
        tpu.yield
      }) : () -> ()
    } else {
    }
    %barrier3A = arith.constant 0 : index
    tpu.barrier barrier_id(%barrier3A)
    %scan3A = arith.constant 0 : i32
    %scan3A_7 = arith.constant 0 : i32
    %scan3A_8 = arith.constant 16 : i32
    %scan3A_9 = arith.addi %scan3A_7, %scan3A_8 : i32
    %scan3A_10 = arith.constant 1 : i32
    scf.for %scan3A_35 = %scan3A_7 to %scan3A_9 step %scan3A_10  : i32 {
      %mul3A_36 = arith.constant 4 : i32
      %mul3A_37 = arith.muli %scan3A_35, %mul3A_36 : i32
      %gt3A = arith.constant 0 : i32
      %gt3A_38 = arith.cmpi sgt, %scan3A_35, %gt3A : i32
      %convert_element_type3A_39 = arith.extui %gt3A_38 : i1 to i32
      %cond3A_40 = arith.constant 0 : i32
      %cond3A_41 = arith.cmpi ne, %convert_element_type3A_39, %cond3A_40 : i32
      scf.if %cond3A_41 {
        %mul3A_152 = arith.constant 2 : i32
        %mul3A_153 = arith.muli %mul3A_152, %mul3A_2 : i32
        %dma_wait3A_154 = arith.constant 0 : i32
        %dma_wait3A_155 = tpu.memref_slice %arg4[%mul3A_153, %dma_wait3A_154] : memref<262144x128xf32, #tpu.memory_space<hbm>> -> memref<128x128xf32, #tpu.memory_space<hbm>>
        %dma_wait3A_156 = arith.constant 0 : i32
        %dma_wait3A_157 = tpu.memref_slice %arg4[%mul3A_153, %dma_wait3A_156] : memref<262144x128xf32, #tpu.memory_space<hbm>> -> memref<128x128xf32, #tpu.memory_space<hbm>>
        tpu.wait_dma2 semaphore(%arg15 : memref<!tpu.dma_semaphore, #tpu.memory_space<semaphore_mem>>) src(%arg7 : memref<128x128xf32, #tpu.memory_space<vmem>>) dst(%dma_wait3A_157 : memref<128x128xf32, #tpu.memory_space<hbm>>)
      } else {
      }
      %add3A_42 = arith.constant 0 : i32
      %add3A_43 = arith.addi %mul3A_37, %add3A_42 : i32
      %mul3A_44 = arith.constant 128 : i32
      %mul3A_45 = arith.muli %add3A_43, %mul3A_44 : i32
      %dma_start3A = tpu.memref_slice %arg5[%mul3A_45] : memref<8192xi32, #tpu.memory_space<vmem>> -> memref<128xi32, #tpu.memory_space<vmem>>
      %dma_start3A_46 = arith.constant 0 : i32
      %dma_start3A_47 = arith.constant 0 : i32
      %dma_start3A_48 = tpu.memref_slice %arg6[%dma_start3A_46, %dma_start3A_47] : memref<1024x128xf32, #tpu.memory_space<vmem_shared>> -> memref<1024x128xf32, #tpu.memory_space<vmem_shared>>
      tpu.enqueue_indirect_dma source(%dma_start3A_48 : memref<1024x128xf32, #tpu.memory_space<vmem_shared>>) target(%arg7 : memref<128x128xf32, #tpu.memory_space<vmem>>) offsets(%dma_start3A : memref<128xi32, #tpu.memory_space<vmem>>) semaphore(%arg11 : memref<!tpu.dma_semaphore, #tpu.memory_space<semaphore_mem>>)
      %gt3A_49 = arith.constant 0 : i32
      %gt3A_50 = arith.cmpi sgt, %scan3A_35, %gt3A_49 : i32
      %convert_element_type3A_51 = arith.extui %gt3A_50 : i1 to i32
      %cond3A_52 = arith.constant 0 : i32
      %cond3A_53 = arith.cmpi ne, %convert_element_type3A_51, %cond3A_52 : i32
      scf.if %cond3A_53 {
        %mul3A_152 = arith.constant 2 : i32
        %mul3A_153 = arith.muli %mul3A_152, %mul3A_2 : i32
        %dma_wait3A_154 = arith.constant 0 : i32
        %dma_wait3A_155 = tpu.memref_slice %arg4[%mul3A_153, %dma_wait3A_154] : memref<262144x128xf32, #tpu.memory_space<hbm>> -> memref<128x128xf32, #tpu.memory_space<hbm>>
        %dma_wait3A_156 = arith.constant 0 : i32
        %dma_wait3A_157 = tpu.memref_slice %arg4[%mul3A_153, %dma_wait3A_156] : memref<262144x128xf32, #tpu.memory_space<hbm>> -> memref<128x128xf32, #tpu.memory_space<hbm>>
        tpu.wait_dma2 semaphore(%arg16 : memref<!tpu.dma_semaphore, #tpu.memory_space<semaphore_mem>>) src(%arg8 : memref<128x128xf32, #tpu.memory_space<vmem>>) dst(%dma_wait3A_157 : memref<128x128xf32, #tpu.memory_space<hbm>>)
      } else {
      }
      %add3A_54 = arith.constant 1 : i32
      %add3A_55 = arith.addi %mul3A_37, %add3A_54 : i32
      %mul3A_56 = arith.constant 128 : i32
      %mul3A_57 = arith.muli %add3A_55, %mul3A_56 : i32
      %dma_start3A_58 = tpu.memref_slice %arg5[%mul3A_57] : memref<8192xi32, #tpu.memory_space<vmem>> -> memref<128xi32, #tpu.memory_space<vmem>>
      %dma_start3A_59 = arith.constant 0 : i32
      %dma_start3A_60 = arith.constant 0 : i32
      %dma_start3A_61 = tpu.memref_slice %arg6[%dma_start3A_59, %dma_start3A_60] : memref<1024x128xf32, #tpu.memory_space<vmem_shared>> -> memref<1024x128xf32, #tpu.memory_space<vmem_shared>>
      tpu.enqueue_indirect_dma source(%dma_start3A_61 : memref<1024x128xf32, #tpu.memory_space<vmem_shared>>) target(%arg8 : memref<128x128xf32, #tpu.memory_space<vmem>>) offsets(%dma_start3A_58 : memref<128xi32, #tpu.memory_space<vmem>>) semaphore(%arg12 : memref<!tpu.dma_semaphore, #tpu.memory_space<semaphore_mem>>)
      %gt3A_62 = arith.constant 0 : i32
      %gt3A_63 = arith.cmpi sgt, %scan3A_35, %gt3A_62 : i32
      %convert_element_type3A_64 = arith.extui %gt3A_63 : i1 to i32
      %cond3A_65 = arith.constant 0 : i32
      %cond3A_66 = arith.cmpi ne, %convert_element_type3A_64, %cond3A_65 : i32
      scf.if %cond3A_66 {
        %mul3A_152 = arith.constant 2 : i32
        %mul3A_153 = arith.muli %mul3A_152, %mul3A_2 : i32
        %dma_wait3A_154 = arith.constant 0 : i32
        %dma_wait3A_155 = tpu.memref_slice %arg4[%mul3A_153, %dma_wait3A_154] : memref<262144x128xf32, #tpu.memory_space<hbm>> -> memref<128x128xf32, #tpu.memory_space<hbm>>
        %dma_wait3A_156 = arith.constant 0 : i32
        %dma_wait3A_157 = tpu.memref_slice %arg4[%mul3A_153, %dma_wait3A_156] : memref<262144x128xf32, #tpu.memory_space<hbm>> -> memref<128x128xf32, #tpu.memory_space<hbm>>
        tpu.wait_dma2 semaphore(%arg17 : memref<!tpu.dma_semaphore, #tpu.memory_space<semaphore_mem>>) src(%arg9 : memref<128x128xf32, #tpu.memory_space<vmem>>) dst(%dma_wait3A_157 : memref<128x128xf32, #tpu.memory_space<hbm>>)
      } else {
      }
      %add3A_67 = arith.constant 2 : i32
      %add3A_68 = arith.addi %mul3A_37, %add3A_67 : i32
      %mul3A_69 = arith.constant 128 : i32
      %mul3A_70 = arith.muli %add3A_68, %mul3A_69 : i32
      %dma_start3A_71 = tpu.memref_slice %arg5[%mul3A_70] : memref<8192xi32, #tpu.memory_space<vmem>> -> memref<128xi32, #tpu.memory_space<vmem>>
      %dma_start3A_72 = arith.constant 0 : i32
      %dma_start3A_73 = arith.constant 0 : i32
      %dma_start3A_74 = tpu.memref_slice %arg6[%dma_start3A_72, %dma_start3A_73] : memref<1024x128xf32, #tpu.memory_space<vmem_shared>> -> memref<1024x128xf32, #tpu.memory_space<vmem_shared>>
      tpu.enqueue_indirect_dma source(%dma_start3A_74 : memref<1024x128xf32, #tpu.memory_space<vmem_shared>>) target(%arg9 : memref<128x128xf32, #tpu.memory_space<vmem>>) offsets(%dma_start3A_71 : memref<128xi32, #tpu.memory_space<vmem>>) semaphore(%arg13 : memref<!tpu.dma_semaphore, #tpu.memory_space<semaphore_mem>>)
      %gt3A_75 = arith.constant 0 : i32
      %gt3A_76 = arith.cmpi sgt, %scan3A_35, %gt3A_75 : i32
      %convert_element_type3A_77 = arith.extui %gt3A_76 : i1 to i32
      %cond3A_78 = arith.constant 0 : i32
      %cond3A_79 = arith.cmpi ne, %convert_element_type3A_77, %cond3A_78 : i32
      scf.if %cond3A_79 {
        %mul3A_152 = arith.constant 2 : i32
        %mul3A_153 = arith.muli %mul3A_152, %mul3A_2 : i32
        %dma_wait3A_154 = arith.constant 0 : i32
        %dma_wait3A_155 = tpu.memref_slice %arg4[%mul3A_153, %dma_wait3A_154] : memref<262144x128xf32, #tpu.memory_space<hbm>> -> memref<128x128xf32, #tpu.memory_space<hbm>>
        %dma_wait3A_156 = arith.constant 0 : i32
        %dma_wait3A_157 = tpu.memref_slice %arg4[%mul3A_153, %dma_wait3A_156] : memref<262144x128xf32, #tpu.memory_space<hbm>> -> memref<128x128xf32, #tpu.memory_space<hbm>>
        tpu.wait_dma2 semaphore(%arg18 : memref<!tpu.dma_semaphore, #tpu.memory_space<semaphore_mem>>) src(%arg10 : memref<128x128xf32, #tpu.memory_space<vmem>>) dst(%dma_wait3A_157 : memref<128x128xf32, #tpu.memory_space<hbm>>)
      } else {
      }
      %add3A_80 = arith.constant 3 : i32
      %add3A_81 = arith.addi %mul3A_37, %add3A_80 : i32
      %mul3A_82 = arith.constant 128 : i32
      %mul3A_83 = arith.muli %add3A_81, %mul3A_82 : i32
      %dma_start3A_84 = tpu.memref_slice %arg5[%mul3A_83] : memref<8192xi32, #tpu.memory_space<vmem>> -> memref<128xi32, #tpu.memory_space<vmem>>
      %dma_start3A_85 = arith.constant 0 : i32
      %dma_start3A_86 = arith.constant 0 : i32
      %dma_start3A_87 = tpu.memref_slice %arg6[%dma_start3A_85, %dma_start3A_86] : memref<1024x128xf32, #tpu.memory_space<vmem_shared>> -> memref<1024x128xf32, #tpu.memory_space<vmem_shared>>
      tpu.enqueue_indirect_dma source(%dma_start3A_87 : memref<1024x128xf32, #tpu.memory_space<vmem_shared>>) target(%arg10 : memref<128x128xf32, #tpu.memory_space<vmem>>) offsets(%dma_start3A_84 : memref<128xi32, #tpu.memory_space<vmem>>) semaphore(%arg14 : memref<!tpu.dma_semaphore, #tpu.memory_space<semaphore_mem>>)
      %dma_wait3A_88 = arith.constant 0 : i32
      %dma_wait3A_89 = tpu.memref_slice %arg5[%dma_wait3A_88] : memref<8192xi32, #tpu.memory_space<vmem>> -> memref<128xi32, #tpu.memory_space<vmem>>
      %dma_wait3A_90 = arith.constant 0 : i32
      %dma_wait3A_91 = arith.constant 0 : i32
      %dma_wait3A_92 = tpu.memref_slice %arg6[%dma_wait3A_90, %dma_wait3A_91] : memref<1024x128xf32, #tpu.memory_space<vmem_shared>> -> memref<1024x128xf32, #tpu.memory_space<vmem_shared>>
      tpu.wait_indirect_dma semaphore(%arg11 : memref<!tpu.dma_semaphore, #tpu.memory_space<semaphore_mem>>) src(%dma_wait3A_92 : memref<1024x128xf32, #tpu.memory_space<vmem_shared>>) dst(%arg7 : memref<128x128xf32, #tpu.memory_space<vmem>>)
      %add3A_93 = arith.constant 0 : i32
      %add3A_94 = arith.addi %mul3A_37, %add3A_93 : i32
      %mul3A_95 = arith.constant 2 : i32
      %mul3A_96 = arith.muli %mul3A_95, %mul3A_2 : i32
      %mul3A_97 = arith.constant 128 : i32
      %mul3A_98 = arith.muli %add3A_94, %mul3A_97 : i32
      %add3A_99 = arith.addi %mul3A_96, %mul3A_98 : i32
      %dma_start3A_100 = arith.constant 0 : i32
      %dma_start3A_101 = tpu.memref_slice %arg4[%add3A_99, %dma_start3A_100] : memref<262144x128xf32, #tpu.memory_space<hbm>> -> memref<128x128xf32, #tpu.memory_space<hbm>>
      %dma_start3A_102 = arith.constant 0 : i32
      %dma_start3A_103 = tpu.memref_slice %arg4[%add3A_99, %dma_start3A_102] : memref<262144x128xf32, #tpu.memory_space<hbm>> -> memref<128x128xf32, #tpu.memory_space<hbm>>
      tpu.enqueue_dma source(%arg7 : memref<128x128xf32, #tpu.memory_space<vmem>>) target(%dma_start3A_103 : memref<128x128xf32, #tpu.memory_space<hbm>>) target_semaphore(%arg15 : memref<!tpu.dma_semaphore, #tpu.memory_space<semaphore_mem>>)
      %dma_wait3A_104 = arith.constant 0 : i32
      %dma_wait3A_105 = tpu.memref_slice %arg5[%dma_wait3A_104] : memref<8192xi32, #tpu.memory_space<vmem>> -> memref<128xi32, #tpu.memory_space<vmem>>
      %dma_wait3A_106 = arith.constant 0 : i32
      %dma_wait3A_107 = arith.constant 0 : i32
      %dma_wait3A_108 = tpu.memref_slice %arg6[%dma_wait3A_106, %dma_wait3A_107] : memref<1024x128xf32, #tpu.memory_space<vmem_shared>> -> memref<1024x128xf32, #tpu.memory_space<vmem_shared>>
      tpu.wait_indirect_dma semaphore(%arg12 : memref<!tpu.dma_semaphore, #tpu.memory_space<semaphore_mem>>) src(%dma_wait3A_108 : memref<1024x128xf32, #tpu.memory_space<vmem_shared>>) dst(%arg8 : memref<128x128xf32, #tpu.memory_space<vmem>>)
      %add3A_109 = arith.constant 1 : i32
      %add3A_110 = arith.addi %mul3A_37, %add3A_109 : i32
      %mul3A_111 = arith.constant 2 : i32
      %mul3A_112 = arith.muli %mul3A_111, %mul3A_2 : i32
      %mul3A_113 = arith.constant 128 : i32
      %mul3A_114 = arith.muli %add3A_110, %mul3A_113 : i32
      %add3A_115 = arith.addi %mul3A_112, %mul3A_114 : i32
      %dma_start3A_116 = arith.constant 0 : i32
      %dma_start3A_117 = tpu.memref_slice %arg4[%add3A_115, %dma_start3A_116] : memref<262144x128xf32, #tpu.memory_space<hbm>> -> memref<128x128xf32, #tpu.memory_space<hbm>>
      %dma_start3A_118 = arith.constant 0 : i32
      %dma_start3A_119 = tpu.memref_slice %arg4[%add3A_115, %dma_start3A_118] : memref<262144x128xf32, #tpu.memory_space<hbm>> -> memref<128x128xf32, #tpu.memory_space<hbm>>
      tpu.enqueue_dma source(%arg8 : memref<128x128xf32, #tpu.memory_space<vmem>>) target(%dma_start3A_119 : memref<128x128xf32, #tpu.memory_space<hbm>>) target_semaphore(%arg16 : memref<!tpu.dma_semaphore, #tpu.memory_space<semaphore_mem>>)
      %dma_wait3A_120 = arith.constant 0 : i32
      %dma_wait3A_121 = tpu.memref_slice %arg5[%dma_wait3A_120] : memref<8192xi32, #tpu.memory_space<vmem>> -> memref<128xi32, #tpu.memory_space<vmem>>
      %dma_wait3A_122 = arith.constant 0 : i32
      %dma_wait3A_123 = arith.constant 0 : i32
      %dma_wait3A_124 = tpu.memref_slice %arg6[%dma_wait3A_122, %dma_wait3A_123] : memref<1024x128xf32, #tpu.memory_space<vmem_shared>> -> memref<1024x128xf32, #tpu.memory_space<vmem_shared>>
      tpu.wait_indirect_dma semaphore(%arg13 : memref<!tpu.dma_semaphore, #tpu.memory_space<semaphore_mem>>) src(%dma_wait3A_124 : memref<1024x128xf32, #tpu.memory_space<vmem_shared>>) dst(%arg9 : memref<128x128xf32, #tpu.memory_space<vmem>>)
      %add3A_125 = arith.constant 2 : i32
      %add3A_126 = arith.addi %mul3A_37, %add3A_125 : i32
      %mul3A_127 = arith.constant 2 : i32
      %mul3A_128 = arith.muli %mul3A_127, %mul3A_2 : i32
      %mul3A_129 = arith.constant 128 : i32
      %mul3A_130 = arith.muli %add3A_126, %mul3A_129 : i32
      %add3A_131 = arith.addi %mul3A_128, %mul3A_130 : i32
      %dma_start3A_132 = arith.constant 0 : i32
      %dma_start3A_133 = tpu.memref_slice %arg4[%add3A_131, %dma_start3A_132] : memref<262144x128xf32, #tpu.memory_space<hbm>> -> memref<128x128xf32, #tpu.memory_space<hbm>>
      %dma_start3A_134 = arith.constant 0 : i32
      %dma_start3A_135 = tpu.memref_slice %arg4[%add3A_131, %dma_start3A_134] : memref<262144x128xf32, #tpu.memory_space<hbm>> -> memref<128x128xf32, #tpu.memory_space<hbm>>
      tpu.enqueue_dma source(%arg9 : memref<128x128xf32, #tpu.memory_space<vmem>>) target(%dma_start3A_135 : memref<128x128xf32, #tpu.memory_space<hbm>>) target_semaphore(%arg17 : memref<!tpu.dma_semaphore, #tpu.memory_space<semaphore_mem>>)
      %dma_wait3A_136 = arith.constant 0 : i32
      %dma_wait3A_137 = tpu.memref_slice %arg5[%dma_wait3A_136] : memref<8192xi32, #tpu.memory_space<vmem>> -> memref<128xi32, #tpu.memory_space<vmem>>
      %dma_wait3A_138 = arith.constant 0 : i32
      %dma_wait3A_139 = arith.constant 0 : i32
      %dma_wait3A_140 = tpu.memref_slice %arg6[%dma_wait3A_138, %dma_wait3A_139] : memref<1024x128xf32, #tpu.memory_space<vmem_shared>> -> memref<1024x128xf32, #tpu.memory_space<vmem_shared>>
      tpu.wait_indirect_dma semaphore(%arg14 : memref<!tpu.dma_semaphore, #tpu.memory_space<semaphore_mem>>) src(%dma_wait3A_140 : memref<1024x128xf32, #tpu.memory_space<vmem_shared>>) dst(%arg10 : memref<128x128xf32, #tpu.memory_space<vmem>>)
      %add3A_141 = arith.constant 3 : i32
      %add3A_142 = arith.addi %mul3A_37, %add3A_141 : i32
      %mul3A_143 = arith.constant 2 : i32
      %mul3A_144 = arith.muli %mul3A_143, %mul3A_2 : i32
      %mul3A_145 = arith.constant 128 : i32
      %mul3A_146 = arith.muli %add3A_142, %mul3A_145 : i32
      %add3A_147 = arith.addi %mul3A_144, %mul3A_146 : i32
      %dma_start3A_148 = arith.constant 0 : i32
      %dma_start3A_149 = tpu.memref_slice %arg4[%add3A_147, %dma_start3A_148] : memref<262144x128xf32, #tpu.memory_space<hbm>> -> memref<128x128xf32, #tpu.memory_space<hbm>>
      %dma_start3A_150 = arith.constant 0 : i32
      %dma_start3A_151 = tpu.memref_slice %arg4[%add3A_147, %dma_start3A_150] : memref<262144x128xf32, #tpu.memory_space<hbm>> -> memref<128x128xf32, #tpu.memory_space<hbm>>
      tpu.enqueue_dma source(%arg10 : memref<128x128xf32, #tpu.memory_space<vmem>>) target(%dma_start3A_151 : memref<128x128xf32, #tpu.memory_space<hbm>>) target_semaphore(%arg18 : memref<!tpu.dma_semaphore, #tpu.memory_space<semaphore_mem>>)
    }
    %scan3A_11 = arith.constant 16 : i32
    %mul3A_12 = arith.constant 2 : i32
    %mul3A_13 = arith.muli %mul3A_12, %mul3A_2 : i32
    %dma_wait3A = arith.constant 0 : i32
    %dma_wait3A_14 = tpu.memref_slice %arg4[%mul3A_13, %dma_wait3A] : memref<262144x128xf32, #tpu.memory_space<hbm>> -> memref<128x128xf32, #tpu.memory_space<hbm>>
    %dma_wait3A_15 = arith.constant 0 : i32
    %dma_wait3A_16 = tpu.memref_slice %arg4[%mul3A_13, %dma_wait3A_15] : memref<262144x128xf32, #tpu.memory_space<hbm>> -> memref<128x128xf32, #tpu.memory_space<hbm>>
    tpu.wait_dma2 semaphore(%arg15 : memref<!tpu.dma_semaphore, #tpu.memory_space<semaphore_mem>>) src(%arg7 : memref<128x128xf32, #tpu.memory_space<vmem>>) dst(%dma_wait3A_16 : memref<128x128xf32, #tpu.memory_space<hbm>>)
    %mul3A_17 = arith.constant 2 : i32
    %mul3A_18 = arith.muli %mul3A_17, %mul3A_2 : i32
    %dma_wait3A_19 = arith.constant 0 : i32
    %dma_wait3A_20 = tpu.memref_slice %arg4[%mul3A_18, %dma_wait3A_19] : memref<262144x128xf32, #tpu.memory_space<hbm>> -> memref<128x128xf32, #tpu.memory_space<hbm>>
    %dma_wait3A_21 = arith.constant 0 : i32
    %dma_wait3A_22 = tpu.memref_slice %arg4[%mul3A_18, %dma_wait3A_21] : memref<262144x128xf32, #tpu.memory_space<hbm>> -> memref<128x128xf32, #tpu.memory_space<hbm>>
    tpu.wait_dma2 semaphore(%arg16 : memref<!tpu.dma_semaphore, #tpu.memory_space<semaphore_mem>>) src(%arg8 : memref<128x128xf32, #tpu.memory_space<vmem>>) dst(%dma_wait3A_22 : memref<128x128xf32, #tpu.memory_space<hbm>>)
    %mul3A_23 = arith.constant 2 : i32
    %mul3A_24 = arith.muli %mul3A_23, %mul3A_2 : i32
    %dma_wait3A_25 = arith.constant 0 : i32
    %dma_wait3A_26 = tpu.memref_slice %arg4[%mul3A_24, %dma_wait3A_25] : memref<262144x128xf32, #tpu.memory_space<hbm>> -> memref<128x128xf32, #tpu.memory_space<hbm>>
    %dma_wait3A_27 = arith.constant 0 : i32
    %dma_wait3A_28 = tpu.memref_slice %arg4[%mul3A_24, %dma_wait3A_27] : memref<262144x128xf32, #tpu.memory_space<hbm>> -> memref<128x128xf32, #tpu.memory_space<hbm>>
    tpu.wait_dma2 semaphore(%arg17 : memref<!tpu.dma_semaphore, #tpu.memory_space<semaphore_mem>>) src(%arg9 : memref<128x128xf32, #tpu.memory_space<vmem>>) dst(%dma_wait3A_28 : memref<128x128xf32, #tpu.memory_space<hbm>>)
    %mul3A_29 = arith.constant 2 : i32
    %mul3A_30 = arith.muli %mul3A_29, %mul3A_2 : i32
    %dma_wait3A_31 = arith.constant 0 : i32
    %dma_wait3A_32 = tpu.memref_slice %arg4[%mul3A_30, %dma_wait3A_31] : memref<262144x128xf32, #tpu.memory_space<hbm>> -> memref<128x128xf32, #tpu.memory_space<hbm>>
    %dma_wait3A_33 = arith.constant 0 : i32
    %dma_wait3A_34 = tpu.memref_slice %arg4[%mul3A_30, %dma_wait3A_33] : memref<262144x128xf32, #tpu.memory_space<hbm>> -> memref<128x128xf32, #tpu.memory_space<hbm>>
    tpu.wait_dma2 semaphore(%arg18 : memref<!tpu.dma_semaphore, #tpu.memory_space<semaphore_mem>>) src(%arg10 : memref<128x128xf32, #tpu.memory_space<vmem>>) dst(%dma_wait3A_34 : memref<128x128xf32, #tpu.memory_space<hbm>>)
    return
  }
}

</mosaic_0001>

<sc_bundles>
// kernel: kernel.3.cloned.1.call-start
scs
__scs_entry_jumppad:
0x0: {  	(pc) =	sbr.rel $0x88, $3  }
0x1: {  	(tag) =	ssettag $0x0;
	lr =	simm.s32 $0x1  }
0x2: {  	[smem:$0x3F9E] =	sst lr;
	_ =	strace $0xD0000000  }
0x3: {  	_ = 	snop  }
0x4: {  	_ = 	snop  }
0x5: {  	_ = 	snop  }
0x6: {  	_ = 	snop  }
0x7: {  	_ = 	snop  }
__scs_overlays_trampoline_lowered:
0x8: {  	[smem:$0x3FAD] =	sst s0  }
0x9: {  	[smem:$0x3FAE] =	sst s1  }
0xa: {  	[smem:$0x3FAF] =	sst s2  }
0xb: {  	[smem:$0x3FB0] =	sst s3  }
0xc: {  	[smem:$0x3FB1] =	sst s4  }
0xd: {  	[smem:$0x3FB2] =	sst s5  }
0xe: {  	[smem:$0x3FB3] =	sst s6  }
0xf: {  	[smem:$0x3FB4] =	sst s7  }
0x10: {  	[smem:$0x3FB5] =	sst s8  }
0x11: {  	[smem:$0x3FB6] =	sst s9;
	s0 =	simm.s32 @!p0 $0x0  }
0x12: {  	s1 =	sld [smem:$0x3F9C];
	s0 =	simm.s32 @p0 $0x1  }
0x13: {  	[smem:$0x3FB7] =	sst s0;
	s0 =	simm.s32 @!p1 $0x0  }
0x14: {  	s2 =	sld [smem:$0x3F9B];
	s0 =	simm.s32 @p1 $0x1  }
0x15: {  	[smem:$0x3FB8] =	sst s0;
	s0 =	simm.s32 @!p2 $0x0  }
0x16: {  	s3 =	sld [smem:$0x3FDB];
	s0 =	simm.s32 @p2 $0x1  }
0x17: {  	s4 =	simm.s32 $0x1BF5;
	[smem:$0x3FBA] =	sst s0  }
0x18: {  	s0 =	sld [smem:$0x3F9D];
	_ =	swait.ge [sflag:s4], $0x0  }
0x19: {  	s7 =	sld [smem:$0x3F9E]  }
0x1a: {  	s8 =	sadd.s32 $0xFFFFE003, lr  }
0x1b: {  	s9 =	sadd.s32 $0xFFFFFEF7, lr;
	s5 =	simm.s32 $0xFFFFFFFF;
	p2 =	slt.u32 s8, $0xFFFFF086  }
0x1c: {  	p1 =	slt.u32 s9, $0xF7A;
	s5 =	simm.s32 @!p2 $0x0  }
0x1d: {  	s5 =	simm.s32 @p1 $0x1;
	p0 =	seq.s32 s7, s2  }
0x1e: {  	s7 =	smul.u32 @!p0 $0xF7A, s2;
	p2 =	seq.s32 @!p0 s5, $0x0  }
0x1f: {  	s9 =	smul.u32 $0xF7A, s1;
	s8 =	simm.s32 @!p0 $0x1BF5;
	p2 =	por !p2, p0  }
0x20: {  	[sflag:s8] =	ssyncset.s32 @!p0 $0xFFFFF086;
	s6 =	sadd.s32 @!p0 s3, s7;
	s7 =	simm.s32 @!p0 $0x108  }
0x21: {  	s3 =	sadd.s32 s3, s9;
	s6 =	sadd.s32 @!p0 $0x88, s6;
	s7 =	simm.s32 @p2 $0x1082  }
0x22: {  	[simem:s7], [sflag:s8] =	dma.local @!p0 [hbm:s6], $0xF7A  }
0x23: {  	s9 =	sor.u32 $0xD0000000, s2;
	s6 =	simm.s32 $0x108;
	_ =	swait.ge @!p0 [sflag:s8], $0x0  }
0x24: {  	s3 =	sadd.s32 $0x88, s3;
	s6 =	simm.s32 @!p1 $0x1082;
	[sflag:s4] =	ssyncset.s32 $0xFFFFF086  }
0x25: {  	[simem:s6], [sflag:s4] =	dma.local [hbm:s3], $0xF7A  }
0x26: {  	[smem:$0x3F9E] =	sst s1;
	(tag) =	ssettag s2;
	_ =	strace s9  }
0x27: {  	s1 =	sld [smem:$0x3FAE]  }
0x28: {  	s2 =	sld [smem:$0x3FAF]  }
0x29: {  	s4 =	sld [smem:$0x3FB1]  }
0x2a: {  	p0 =	seq.s32 s5, $0x0;
	s5 =	sld [smem:$0x3FB2]  }
0x2b: {  	s6 =	sld [smem:$0x3FB3]  }
0x2c: {  	s7 =	sld [smem:$0x3FB4]  }
0x2d: {  	s3 =	simm.s32 $0x108;
	s8 =	sld [smem:$0x3FB5]  }
0x2e: {  	s3 =	simm.s32 @!p0 $0x1082;
	s9 =	sld [smem:$0x3FB6]  }
0x2f: {  	lr =	sadd.s32 s0, s3;
	s0 =	sld [smem:$0x3FAD]  }
0x30: {  	s3 =	sld [smem:$0x3FB0]  }
0x31: {  	[smem:$0x3FB9] =	sst s10  }
0x32: {  	s10 =	sld [smem:$0x3FB7];
	_ =	sdelay $0x3  }
0x33: {  	p0 =	seq.s32 s10, $0x1;
	s10 =	sld [smem:$0x3FB9];
	_ =	sdelay $0x3  }
0x34: {  	[smem:$0x3FB9] =	sst s10  }
0x35: {  	s10 =	sld [smem:$0x3FB8];
	_ =	sdelay $0x3  }
0x36: {  	p1 =	seq.s32 s10, $0x1;
	s10 =	sld [smem:$0x3FB9];
	_ =	sdelay $0x3  }
0x37: {  	[smem:$0x3FB9] =	sst s10  }
0x38: {  	s10 =	sld [smem:$0x3FBA]  }
0x39: {  	_ = 	snop;
	(pc) =	sbr.ind lr, $3  }
0x3a: {  	_ = 	snop  }
0x3b: {  	_ = 	snop  }
0x3c: {  	p2 =	seq.s32 s10, $0x1;
	s10 =	sld [smem:$0x3FB9]  }
0x3d: {  	_ =	shalt  }
0x3e: {  	_ =	shalt  }
0x3f: {  	_ =	shalt  }
0x40: {  	_ =	shalt  }
0x41: {  	_ =	shalt  }
0x42: {  	_ =	shalt  }
0x43: {  	_ =	shalt  }
0x44: {  	_ =	shalt  }
0x45: {  	_ =	shalt  }
0x46: {  	_ =	shalt  }
0x47: {  	_ =	shalt  }
0x48: {  	_ =	shalt  }
0x49: {  	_ =	shalt  }
0x4a: {  	_ =	shalt  }
0x4b: {  	_ =	shalt  }
0x4c: {  	_ =	shalt  }
0x4d: {  	_ =	shalt  }
0x4e: {  	_ =	shalt  }
0x4f: {  	_ =	shalt  }
0x50: {  	_ =	shalt  }
0x51: {  	_ =	shalt  }
0x52: {  	_ =	shalt  }
0x53: {  	_ =	shalt  }
0x54: {  	_ =	shalt  }
0x55: {  	_ =	shalt  }
0x56: {  	_ =	shalt  }
0x57: {  	_ =	shalt  }
0x58: {  	_ =	shalt  }
0x59: {  	_ =	shalt  }
0x5a: {  	_ =	shalt  }
0x5b: {  	_ =	shalt  }
0x5c: {  	_ =	shalt  }
0x5d: {  	_ =	shalt  }
0x5e: {  	_ =	shalt  }
0x5f: {  	_ =	shalt  }
0x60: {  	_ =	shalt  }
0x61: {  	_ =	shalt  }
0x62: {  	_ =	shalt  }
0x63: {  	_ =	shalt  }
0x64: {  	_ =	shalt  }
0x65: {  	_ =	shalt  }
0x66: {  	_ =	shalt  }
0x67: {  	_ =	shalt  }
0x68: {  	_ =	shalt  }
0x69: {  	_ =	shalt  }
0x6a: {  	_ =	shalt  }
0x6b: {  	_ =	shalt  }
0x6c: {  	_ =	shalt  }
0x6d: {  	_ =	shalt  }
0x6e: {  	_ =	shalt  }
0x6f: {  	_ =	shalt  }
0x70: {  	_ =	shalt  }
0x71: {  	_ =	shalt  }
0x72: {  	_ =	shalt  }
0x73: {  	_ =	shalt  }
0x74: {  	_ =	shalt  }
0x75: {  	_ =	shalt  }
0x76: {  	_ =	shalt  }
0x77: {  	_ =	shalt  }
0x78: {  	_ =	shalt  }
0x79: {  	_ =	shalt  }
0x7a: {  	_ =	shalt  }
0x7b: {  	_ =	shalt  }
0x7c: {  	_ =	shalt  }
0x7d: {  	_ =	shalt  }
0x7e: {  	_ =	shalt  }
0x7f: {  	_ =	shalt  }
0x80: {  	_ =	shalt  }
0x81: {  	_ =	shalt  }
0x82: {  	_ =	shalt  }
0x83: {  	_ =	shalt  }
0x84: {  	_ =	shalt  }
0x85: {  	_ =	shalt  }
0x86: {  	_ =	shalt  }
0x87: {  	_ =	shalt  }
.Lfunc_end0:
.L_simem_size_0:
called_computation_lowered:
.L_overlay_start_0:
0x88: {  	s2 =	sld [smem:$0x3FD9]  }
0x89: {  	s3 =	sld [smem:$0x3FFE];
	_ =	sdelay $0x1  }
0x8a: {  	s1 =	srdreg.scid  }
0x8b: {  	s0 =	sand.u32 $0x1, s1  }
0x8c: {  	s17 =	sshll.u32 s0, $0xA;
	s2 =	sadd.s32 s3, s2  }
0x8d: {  	s2 =	sadd.s32 s2, s17  }
0x8e: {  	[smem:$0x3FC5] =	sst s2  }
0x8f: {  	_ = 	snop  }
0x90: {  	s2 =	sld [smem:$0x3FD0];
	(tm) =	ssettm $0x1  }
0x91: {  	s18 =	sld [smem:$0x3FFB];
	_ =	sdelay $0x3  }
0x92: {  	_ =	strace s18  }
0x93: {  	s3 =	sld [smem:$0x3FFC];
	_ =	sdelay $0x3  }
0x94: {  	_ =	strace s3  }
0x95: {  	s3 =	sld [smem:$0x3FFD];
	_ =	sdelay $0x3  }
0x96: {  	_ =	strace s3  }
0x97: {  	_ =	strace $0x8FFFFFFF  }
0x98: {  	s19 =	sld [smem:$0x3FDB];
	_ =	sdelay $0x1  }
0x99: {  	s4 =	simm.s32 $_scs_section_size  }
0x9a: {  	s5 =	simm.s32 $_size__tile_overlayer_lowered;
	s6 =	simm.s32 $_tile_overlayer_lowered  }
0x9b: {  	s22 =	simm.s32 $0x1BFF;
	s21 =	sshll.u32 s6, $0x1;
	s3 =	sadd.s32 s4, s19  }
0x9c: {  	s7 =	simm.s32 $0x0;
	s20 =	sshll.u32 s5, $0x1;
	s5 =	sadd.s32 s21, s3  }
0x9d: {  	[timem:s7], [sflag:s22] =	dma.local [hbm:s5], s20  }
0x9e: {  	_ =	swait.ge [sflag:s22], s20  }
0x9f: {  	s4 =	ssub.s32 $0x0, s20;
	[sflag:s22] =	ssyncset.done $0x0  }
0xa0: {  	[sflag:s22] =	ssyncadd.s32 s4;
	_ =	sdelay $0x1  }
0xa1: {  	s23 =	simm.s32 $0x1B8B  }
0xa2: {  	_ =	swait.ge [sflag:s23], $0x1  }
0xa3: {  	[sflag:s23] =	ssyncset.done $0x0  }
0xa4: {  	s25 =	simm.s32 $0x1B8E;
	s24 =	sld [smem:$0x3FFE];
	[sflag:s23] =	ssyncadd.s32 $0xFFFFFFFF  }
0xa5: {  	s26 =	simm.s32 $execute0_lowered;
	[smem:$0x3FD2] =	sst s25  }
0xa6: {  	s5 =	sshll.u32 s26, $0x1;
	_ =	strace $0x80000046;
	[dreg:$0x1] =	wrdreg $0xFFFFFFFF  }
0xa7: {  	s28 =	simm.s32 $_size_execute0_lowered;
	s3 =	sadd.s32 s3, s5;
	[dreg:$0x0] =	wrdreg $0x0  }
0xa8: {  	s5 =	sshll.u32 s28, $0x1;
	[dreg:$0x2] =	wrdreg s3  }
0xa9: {  	[dreg:$0x3] =	wrdreg s5  }
0xaa: {  	[dreg:$0x4] =	wrdreg $0xC0  }
0xab: {  	_ =	task [dreg:s7], $0x5FFFF  }
0xac: {  	[dreg:$0x1] =	wrdreg $0xFFFFFFFF  }
0xad: {  	[dreg:$0x0] =	wrdreg $0x60  }
0xae: {  	[dreg:$0x2] =	wrdreg s24  }
0xaf: {  	[dreg:$0x3] =	wrdreg s2  }
0xb0: {  	[dreg:$0x4] =	wrdreg $0x20000  }
0xb1: {  	[dreg:$0x5] =	wrdreg $0x9  }
0xb2: {  	_ =	task.clear_ibuf [dreg:s7], $0x6FFFF;
	_ =	strace $0x90000046  }
0xb3: {  	s29 =	simm.s32 $0x9;
	_ =	strace $0x80000048  }
0xb4: {  	_ =	swait.ge [sflag:s29], $0x1  }
0xb5: {  	[sflag:s29] =	ssyncadd.s32 $0xFFFFFFFF  }
0xb6: {  	_ =	strace $0x90000048  }
0xb7: {  	_ =	sfence  }
0xb8: {  	s30 =	sld [smem:$0x0];
	_ =	sdelay $0x2  }
0xb9: {  	s31 =	sshll.u32 s1, $0xD;
	s1 =	sshrl.u32 s1, $0x2  }
0xba: {  	s3 =	sand.u32 $0x4000, s31;
	s1 =	sadd.s32 s1, s30  }
0xbb: {  	s0 =	sor.u32 s3, s0;
	s1 =	sshll.u32 s1, $0x11  }
0xbc: {  	s0 =	sor.u32 s1, s0  }
0xbd: {  	s0 =	sadd.s32 $0x8F2B, s0  }
0xbe: {  	[sflag:s0] =	ssyncadd.remote.s32 $0x1  }
0xbf: {  	_ =	sfence.sel $0xFFFF  }
0xc0: {  	[dreg:$0x0] =	wrdreg $0xFFFFFFFF;
	(pc) =	sbr.abs _section_cstart, $3  }
0xc1: {  	[dreg:$0x1] =	wrdreg $0xFFFFFFFF  }
0xc2: {  	_ =	task.clear_ibuf [dreg:s7], $0x2FFFF;
	_ =	strace $0x9FFFFFFF  }
0xc3: {  	(tm) =	ssettm $0x7FFFFFFF  }
tec
execute0_lowered:
.L_overlay_start_1:
0x0: {  	(tag) =	ssettag $0x1  }
0x1: {  	s0 =	rddreg [dreg:$0x0];
	s1 =	srdreg.scid  }
0x2: {  	s9 =	rddreg [dreg:$0x1];
	s11 =	stileid.u32;
	s2 =	simm.s32 $0x0  }
0x3: {  	s13 =	simm.s32 $0x80;
	s14 =	simm.s32 $0x4000;
	s15 =	simm.s32 $0x8000  }
0x4: {  	s17 =	simm.s32 $0xC000;
	s18 =	simm.s32 $0x180;
	s19 =	simm.s32 $0x10000  }
0x5: {  	s20 =	simm.s32 $0x1;
	s21 =	simm.s32 $0x2;
	s22 =	simm.s32 $0x3  }
0x6: {  	s23 =	simm.s32 $0x4;
	s24 =	simm.s32 $0x5;
	s25 =	simm.s32 $0x6  }
0x7: {  	s26 =	simm.s32 $0x7;
	s28 =	simm.s32 $0x8;
	s29 =	simm.s32 $0x0  }
0x8: {  	s10 =	sand.u32 $0x1, s1;
	s1 =	rddreg [dreg:$0x2];
	s3 =	sshll.u32 s11, $0xE  }
0x9: {  	[smem:$0x7FF] =	sst s2;
	s31 =	sshll.u32 s11, $0x12;
	p0 =	sne.s32 s11, $0x0  }
0xa: {  	s11 =	simm.s32 $0x9;
	s4 =	sshll.u32 s10, $0xD;
	_ =	strace $0x80000047  }
0xb: {  	s6 =	ssub.s32 $0x2, s10;
	s10 =	sshll.u32 s10, $0x11;
	s4 =	sor.u32 s4, s3  }
0xc: {  	s12 =	sshrl.u32 @!p0 s1, $0x3;
	s30 =	sshrl.u32 s6, $0x1;
	s3 =	sshrl.u32 s4, $0x3  }
0xd: {  	s7 =	sshll.u32 s4, $0x4;
	s5 =	sadd.s32 s3, s0;
	s3 =	sadd.s32 $0x8800, s0  }
0xe: {  	s0 =	ssub.s32 s6, s30;
	s4 =	sadd.s32 $0x800, s5;
	s5 =	sadd.s32 s9, s7  }
0xf: {  	s6 =	smax.u32 s0, $0x1;
	s0 =	sadd.s32 s31, s9;
	s7 =	sadd.s32 $0x800, s5  }
0x10: {  	s8 =	sadd.s32 $0x1000, s5;
	s9 =	sadd.s32 $0x1800, s5;
	s10 =	sadd.s32 s10, s0  }
.LBB2_1:
0x11: {  	[tilespmem:s2], [sflag:$0x9] =	stream.linear.gather [hbm4b:s4+s2], $0x2000, $0x38;
	[tilespmem:$0x14000] =	vst v63  }
0x12: {  	_ =	swait.ge [sflag:s11], $0x2000  }
0x13: {  	[sflag:s11] =	ssyncset.done $0x0  }
0x14: {  	s0 =	simm.s32 @!p0 $0x1C09;
	[sflag:s11] =	ssyncadd.s32 $0xFFFFE000  }
0x15: {  	[spmem:s12], [sflag:s0] =	dma.local @!p0 [hbm:s3], $0x4000  }
0x16: {  	s0 =	simm.s32 @!p0 $0x9  }
0x17: {  	_ =	swait.ge @!p0 [sflag:s0], $0x4000  }
0x18: {  	[sflag:s0] =	ssyncset.done @!p0 $0x0  }
0x19: {  	[sflag:s0] =	ssyncadd.s32 @!p0 $0xFFFFC000  }
0x1a: {  	[bflag:$0x0] =	sbarrier.arrive $0xFFFF  }
0x1b: {  	[tilespmem:s14], [sflag:$0x1] =	stream.indirect.gather [spmem:s1], $0x80, s2, s13, $0xb8;
	[tilespmem:$0x14000] =	vst v63  }
0x1c: {  	_ = 	snop  }
0x1d: {  	[tilespmem:s15], [sflag:$0x2] =	stream.indirect.gather [spmem:s1], $0x80, s13, s13, $0xb8;
	[tilespmem:$0x14000] =	vst v63  }
0x1e: {  	s16 =	simm.s32 $0x100  }
0x1f: {  	[tilespmem:s17], [sflag:$0x3] =	stream.indirect.gather [spmem:s1], $0x80, s16, s13, $0xb8;
	[tilespmem:$0x14000] =	vst v63  }
0x20: {  	_ = 	snop  }
0x21: {  	[tilespmem:s19], [sflag:$0x4] =	stream.indirect.gather [spmem:s1], $0x80, s18, s13, $0xb8;
	[tilespmem:$0x14000] =	vst v63  }
0x22: {  	_ =	swait.ge [sflag:s20], $0x4000  }
0x23: {  	[sflag:s20] =	ssyncset.done $0x0  }
0x24: {  	[sflag:s20] =	ssyncadd.s32 $0xFFFFC000  }
0x25: {  	[hbm4b:s5+s2] =	stream.linear.scatter [tilespmem:s14], [sflag:$0x5], $0x4000, $0x38;
	[tilespmem:$0x14000] =	vst v63  }
0x26: {  	_ =	swait.ge [sflag:s21], $0x4000  }
0x27: {  	[sflag:s21] =	ssyncset.done $0x0  }
0x28: {  	[sflag:s21] =	ssyncadd.s32 $0xFFFFC000  }
0x29: {  	[hbm4b:s7+s2] =	stream.linear.scatter [tilespmem:s15], [sflag:$0x6], $0x4000, $0x38;
	[tilespmem:$0x14000] =	vst v63  }
0x2a: {  	_ =	swait.ge [sflag:s22], $0x4000  }
0x2b: {  	[sflag:s22] =	ssyncset.done $0x0  }
0x2c: {  	[sflag:s22] =	ssyncadd.s32 $0xFFFFC000  }
0x2d: {  	[hbm4b:s8+s2] =	stream.linear.scatter [tilespmem:s17], [sflag:$0x7], $0x4000, $0x38;
	[tilespmem:$0x14000] =	vst v63  }
0x2e: {  	_ =	swait.ge [sflag:s23], $0x4000  }
0x2f: {  	[sflag:s23] =	ssyncset.done $0x0  }
0x30: {  	[sflag:s23] =	ssyncadd.s32 $0xFFFFC000  }
0x31: {  	[hbm4b:s9+s2] =	stream.linear.scatter [tilespmem:s19], [sflag:$0x8], $0x4000, $0x38;
	[tilespmem:$0x14000] =	vst v63  }
0x32: {  	_ =	swait.ge [sflag:s24], $0x4000  }
0x33: {  	[sflag:s24] =	ssyncset.done $0x0  }
0x34: {  	s16 =	simm.s32 $0x200;
	[sflag:s24] =	ssyncadd.s32 $0xFFFFC000  }
0x35: {  	[tilespmem:s14], [sflag:$0x1] =	stream.indirect.gather [spmem:s1], $0x80, s16, s13, $0xb8;
	[tilespmem:$0x14000] =	vst v63  }
0x36: {  	_ =	swait.ge [sflag:s25], $0x4000  }
0x37: {  	[sflag:s25] =	ssyncset.done $0x0  }
0x38: {  	s16 =	simm.s32 $0x280;
	[sflag:s25] =	ssyncadd.s32 $0xFFFFC000  }
0x39: {  	[tilespmem:s15], [sflag:$0x2] =	stream.indirect.gather [spmem:s1], $0x80, s16, s13, $0xb8;
	[tilespmem:$0x14000] =	vst v63  }
0x3a: {  	_ =	swait.ge [sflag:s26], $0x4000  }
0x3b: {  	[sflag:s26] =	ssyncset.done $0x0  }
0x3c: {  	s16 =	simm.s32 $0x300;
	[sflag:s26] =	ssyncadd.s32 $0xFFFFC000  }
0x3d: {  	[tilespmem:s17], [sflag:$0x3] =	stream.indirect.gather [spmem:s1], $0x80, s16, s13, $0xb8;
	[tilespmem:$0x14000] =	vst v63  }
0x3e: {  	_ =	swait.ge [sflag:s28], $0x4000  }
0x3f: {  	[sflag:s28] =	ssyncset.done $0x0  }
0x40: {  	s16 =	simm.s32 $0x380;
	[sflag:s28] =	ssyncadd.s32 $0xFFFFC000  }
0x41: {  	[tilespmem:s19], [sflag:$0x4] =	stream.indirect.gather [spmem:s1], $0x80, s16, s13, $0xb8;
	[tilespmem:$0x14000] =	vst v63  }
0x42: {  	_ =	swait.ge [sflag:s20], $0x4000  }
0x43: {  	s16 =	sadd.s32 $0x0, s10;
	[sflag:s20] =	ssyncset.done $0x0  }
0x44: {  	s30 =	sadd.s32 $0x2000, s16;
	[sflag:s20] =	ssyncadd.s32 $0xFFFFC000  }
0x45: {  	[hbm4b:s30+s2] =	stream.linear.scatter [tilespmem:s14], [sflag:$0x5], $0x4000, $0x38;
	[tilespmem:$0x14000] =	vst v63  }
0x46: {  	_ =	swait.ge [sflag:s21], $0x4000  }
0x47: {  	[sflag:s21] =	ssyncset.done $0x0  }
0x48: {  	s30 =	sadd.s32 $0x2800, s16;
	[sflag:s21] =	ssyncadd.s32 $0xFFFFC000  }
0x49: {  	[hbm4b:s30+s2] =	stream.linear.scatter [tilespmem:s15], [sflag:$0x6], $0x4000, $0x38;
	[tilespmem:$0x14000] =	vst v63  }
0x4a: {  	_ =	swait.ge [sflag:s22], $0x4000  }
0x4b: {  	[sflag:s22] =	ssyncset.done $0x0  }
0x4c: {  	s30 =	sadd.s32 $0x3000, s16;
	[sflag:s22] =	ssyncadd.s32 $0xFFFFC000  }
0x4d: {  	[hbm4b:s30+s2] =	stream.linear.scatter [tilespmem:s17], [sflag:$0x7], $0x4000, $0x38;
	[tilespmem:$0x14000] =	vst v63  }
0x4e: {  	_ =	swait.ge [sflag:s23], $0x4000  }
0x4f: {  	s31 =	simm.s32 $0x580;
	[sflag:s23] =	ssyncset.done $0x0  }
0x50: {  	s0 =	sadd.s32 $0x3800, s16;
	s30 =	simm.s32 $0x2000;
	[sflag:s23] =	ssyncadd.s32 $0xFFFFC000  }
.LBB2_2:
0x51: {  	[hbm4b:s0+s2] =	stream.linear.scatter [tilespmem:s19], [sflag:$0x8], $0x4000, $0x38;
	[tilespmem:$0x14000] =	vst v63  }
0x52: {  	s0 =	smov.u32 s30  }
0x53: {  	p1 =	sne.s32 s30, $0x1C000;
	s30 =	sadd.s32 $0x2000, s30;
	_ =	swait.ge [sflag:s24], $0x4000  }
0x54: {  	[sflag:s24] =	ssyncset.done $0x0  }
0x55: {  	s16 =	sadd.s32 $0xFFFFFE80, s31;
	[sflag:s24] =	ssyncadd.s32 $0xFFFFC000  }
0x56: {  	[tilespmem:s14], [sflag:$0x1] =	stream.indirect.gather [spmem:s1], $0x80, s16, s13, $0xb8;
	[tilespmem:$0x14000] =	vst v63  }
0x57: {  	_ =	swait.ge [sflag:s25], $0x4000  }
0x58: {  	[sflag:s25] =	ssyncset.done $0x0  }
0x59: {  	s16 =	sadd.s32 $0xFFFFFF00, s31;
	[sflag:s25] =	ssyncadd.s32 $0xFFFFC000  }
0x5a: {  	[tilespmem:s15], [sflag:$0x2] =	stream.indirect.gather [spmem:s1], $0x80, s16, s13, $0xb8;
	[tilespmem:$0x14000] =	vst v63  }
0x5b: {  	_ =	swait.ge [sflag:s26], $0x4000  }
0x5c: {  	[sflag:s26] =	ssyncset.done $0x0  }
0x5d: {  	s16 =	sadd.s32 $0xFFFFFF80, s31;
	[sflag:s26] =	ssyncadd.s32 $0xFFFFC000  }
0x5e: {  	[tilespmem:s17], [sflag:$0x3] =	stream.indirect.gather [spmem:s1], $0x80, s16, s13, $0xb8;
	[tilespmem:$0x14000] =	vst v63  }
0x5f: {  	_ =	swait.ge [sflag:s28], $0x4000  }
0x60: {  	[sflag:s28] =	ssyncset.done $0x0  }
0x61: {  	[sflag:s28] =	ssyncadd.s32 $0xFFFFC000  }
0x62: {  	[tilespmem:s19], [sflag:$0x4] =	stream.indirect.gather [spmem:s1], $0x80, s31, s13, $0xb8;
	[tilespmem:$0x14000] =	vst v63  }
0x63: {  	_ =	swait.ge [sflag:s20], $0x4000  }
0x64: {  	s0 =	sadd.s32 s0, s10;
	[sflag:s20] =	ssyncset.done $0x0  }
0x65: {  	s16 =	sadd.s32 $0x2000, s0;
	[sflag:s20] =	ssyncadd.s32 $0xFFFFC000  }
0x66: {  	[hbm4b:s16+s2] =	stream.linear.scatter [tilespmem:s14], [sflag:$0x5], $0x4000, $0x38;
	[tilespmem:$0x14000] =	vst v63  }
0x67: {  	_ =	swait.ge [sflag:s21], $0x4000  }
0x68: {  	[sflag:s21] =	ssyncset.done $0x0  }
0x69: {  	s16 =	sadd.s32 $0x2800, s0;
	[sflag:s21] =	ssyncadd.s32 $0xFFFFC000  }
0x6a: {  	[hbm4b:s16+s2] =	stream.linear.scatter [tilespmem:s15], [sflag:$0x6], $0x4000, $0x38;
	[tilespmem:$0x14000] =	vst v63  }
0x6b: {  	_ =	swait.ge [sflag:s22], $0x4000  }
0x6c: {  	[sflag:s22] =	ssyncset.done $0x0  }
.Ltmp0:
0x6d: {  	s16 =	sadd.s32 $0x3000, s0;
	[sflag:s22] =	ssyncadd.s32 $0xFFFFC000;
	(pc) =	sbr.rel @p1 .LBB2_2-.Ltmp0, $4  }
0x6e: {  	[hbm4b:s16+s2] =	stream.linear.scatter [tilespmem:s17], [sflag:$0x7], $0x4000, $0x38;
	[tilespmem:$0x14000] =	vst v63  }
0x6f: {  	_ =	swait.ge [sflag:s23], $0x4000  }
0x70: {  	[sflag:s23] =	ssyncset.done $0x0  }
0x71: {  	s31 =	sadd.s32 $0x200, s31;
	s0 =	sadd.s32 $0x3800, s0;
	[sflag:s23] =	ssyncadd.s32 $0xFFFFC000  }
0x72: {  	[hbm4b:s0+s2] =	stream.linear.scatter [tilespmem:s19], [sflag:$0x8], $0x4000, $0x38;
	[tilespmem:$0x14000] =	vst v63  }
0x73: {  	_ =	swait.ge [sflag:s24], $0x4000  }
0x74: {  	[sflag:s24] =	ssyncset.done $0x0  }
0x75: {  	[sflag:s24] =	ssyncadd.s32 $0xFFFFC000  }
0x76: {  	_ =	swait.ge [sflag:s25], $0x4000  }
0x77: {  	[sflag:s25] =	ssyncset.done $0x0  }
0x78: {  	s29 =	sadd.s32 $0x1, s29;
	[sflag:s25] =	ssyncadd.s32 $0xFFFFC000  }
0x79: {  	p1 =	sne.s32 s29, s6;
	_ =	swait.ge [sflag:s26], $0x4000  }
.Ltmp1:
0x7a: {  	[sflag:s26] =	ssyncset.done $0x0;
	(pc) =	sbr.rel @p1 .LBB2_1-.Ltmp1, $4  }
0x7b: {  	[sflag:s26] =	ssyncadd.s32 $0xFFFFC000  }
0x7c: {  	_ =	swait.ge [sflag:s28], $0x4000  }
0x7d: {  	[sflag:s28] =	ssyncset.done $0x0  }
0x7e: {  	[sflag:s28] =	ssyncadd.s32 $0xFFFFC000  }
0x7f: {  	_ =	sfence.sel $0x180000  }
0x80: {  	[bflag:$0x0] =	sbarrier.arrive $0xFFFF  }
0x81: {  	_ =	strace $0x90000047  }
0x82: {  	[bflag:$0x2] =	sbarrier.arrive $0xFFFF  }
0x83: {  	s0 =	rddreg [dreg:$0x3]  }
0x84: {  	s0 =	sadd.s32 @!p0 $0x100000, s0  }
0x85: {  	[sflag:s0] =	ssyncadd.tile.s32 @!p0 $0x1;
	_ =	shalt  }
.Lfunc_end2:
_tile_overlayer_lowered:
.L_overlay_start_2:
0x86: {  	(tag) =	ssettag $0x2  }
0x87: {  	s0 =	rddreg [dreg:$0x0];
	s2 =	stileid.u32  }
0x88: {  	s1 =	rddreg [dreg:$0x1];
	p0 =	sne.s32 s2, $0x0  }
0x89: {  	s3 =	rddreg [dreg:$0x2];
	[bflag:$0x3] =	sbarrier.arrive $0xFFFF;
	s2 =	simm.s32 @!p0 $0x1C09  }
0x8a: {  	[timem:s3], [sflag:s2] =	dma.local @!p0 [hbm:s0], s1  }
0x8b: {  	s0 =	simm.s32 @!p0 $0x9  }
0x8c: {  	_ =	swait.ge @!p0 [sflag:s0], s1  }
0x8d: {  	s1 =	ssub.s32 @!p0 $0x0, s1;
	[sflag:s0] =	ssyncset.done @!p0 $0x0  }
0x8e: {  	[sflag:s0] =	ssyncadd.s32 @!p0 s1  }
0x8f: {  	[bflag:$0x3] =	sbarrier.arrive $0xFFFF  }
0x90: {  	_ =	shalt  }

</sc_bundles>
